<compile_context>
chip_gen: v7x
topology: tpu7x:2x2x1
jax: 0.10.2.dev20260603
libtpu: 0.0.44.dev20260713+nightly
codegen_flags: <defaults>
</compile_context>

<pallas_src>
import functools

import jax
import jax.numpy as jnp
from jax import lax
from jax.experimental import pallas as pl
from jax.experimental.pallas import tpu as pltpu
from jax.experimental.pallas import tpu_sc as plsc

VOCAB = 1000
BATCH = 16384

_info = plsc.get_sparse_core_info()
_NS, _L = _info.num_subcores, _info.num_lanes


def _make_kernel(num_cores):
    nw = num_cores * _NS
    bpw = BATCH // nw
    groups = bpw // _L
    half = groups // 2
    mesh = plsc.VectorSubcoreMesh(
        core_axis_name="c", subcore_axis_name="s", num_cores=num_cores)

    @functools.partial(
        pl.kernel,
        mesh=mesh,
        out_type=jax.ShapeDtypeStruct((BATCH,), jnp.float32),
        scratch_types=[
            pltpu.VMEM((bpw,), jnp.int32),
            pltpu.VMEM((VOCAB,), jnp.float32),
            pltpu.VMEM((bpw,), jnp.float32),
            pltpu.SemaphoreType.DMA,
        ],
        compiler_params=pltpu.CompilerParams(needs_layout_passes=False),
    )
    def gather_kernel(items_hbm, table_hbm, out_hbm, items_v, table_v, out_v,
                      sem):
        wid = lax.axis_index("s") * num_cores + lax.axis_index("c")
        base = wid * bpw
        cp_t = pltpu.async_copy(table_hbm, table_v, sem)
        cp_i = pltpu.async_copy(items_hbm.at[pl.ds(base, bpw)], items_v, sem)
        cp_t.wait()
        cp_i.wait()

        def step(g):
            items = items_v[pl.ds(g * _L, _L)]
            out_v[pl.ds(g * _L, _L)] = plsc.load_gather(table_v, [items])

        q = groups // 4
        outs = []
        for k in range(4):
            plsc.parallel_loop(k * q, (k + 1) * q, unroll=8)(step)
            outs.append(pltpu.async_copy(
                out_v.at[pl.ds(k * q * _L, q * _L)],
                out_hbm.at[pl.ds(base + k * q * _L, q * _L)], sem))
        for cp in outs:
            cp.wait()

    return gather_kernel


_gather = _make_kernel(num_cores=1)


def kernel(all_items, interactions, pop):
    items = interactions[:, 1].astype(jnp.int32)
    return _gather(items, all_items.astype(jnp.float32))

# --- scband reference (transcript-rebuilt; emitter-appended) ---
"""Pipeline reference for scband-popularity-recommender-82824149336603 (READ-ONLY COPY).

The authoritative reference and input builder live on the scoring server;
editing this copy changes nothing except your own understanding.
"""

import jax, jax.numpy as jnp
import numpy as np

VOCAB = 1000
BATCH = 16384

def setup_inputs(seed: int = 0) -> dict:
    key = jax.random.key(seed)
    k1, = jax.random.split(key, 1)
    # adj_mx is an all-ones [1, VOCAB] interaction matrix, so the popularity
    # vector all_items = adj_mx.sum(axis=0) is a vector of ones of length VOCAB.
    all_items = jnp.ones((VOCAB,), dtype=jnp.float32)
    interactions = jax.random.randint(k1, (BATCH, 2), 0, VOCAB)
    pop = 1  # unused by the module's predict()
    return {"all_items": all_items, "interactions": interactions, "pop": pop}

def reference(all_items, interactions, pop):
    # predict(): items = interactions[:, 1]; torch.index_select(all_items, 0, items)
    items = interactions[:, 1]
    return jnp.take(all_items, items, axis=0)

if __name__ == "__main__":
    import jax
    _d = setup_inputs()
    print(jax.jit(kernel)(*tuple(_d.values())))

</pallas_src>

<mosaic_0001>
#map = affine_map<(d0, d1) -> (0)>
module attributes {stable_mosaic.version = 14 : i64} {
  func.func @gather_kernel(%arg0: i32, %arg1: i32, %arg2: memref<16384xi32, #tpu.memory_space<hbm>>, %arg3: memref<1000xf32, #tpu.memory_space<hbm>>, %arg4: memref<16384xf32, #tpu.memory_space<hbm>>, %arg5: memref<1024xi32, #tpu.memory_space<vmem>>, %arg6: memref<1000xf32, #tpu.memory_space<vmem>>, %arg7: memref<1024xf32, #tpu.memory_space<vmem>>, %arg8: memref<!tpu.dma_semaphore, #tpu.memory_space<semaphore_mem>>) attributes {dimension_semantics = [#tpu.dimension_semantics<core_parallel>, #tpu.dimension_semantics<subcore_parallel>], iteration_bounds = array<i64: 1, 16>, scalar_prefetch = 0 : i64, scratch_operands = 4 : i64, tpu.core_type = #tpu.core_type<sc_vector_subcore>, window_params = [{transform_indices = #map}, {transform_indices = #map}, {transform_indices = #map}]} {
    %mul3A = arith.constant 1 : i32
    %mul3A_0 = arith.muli %arg1, %mul3A : i32
    %add3A = arith.addi %mul3A_0, %arg0 : i32
    %mul3A_1 = arith.constant 1024 : i32
    %mul3A_2 = arith.muli %add3A, %mul3A_1 : i32
    tpu.enqueue_dma source(%arg3 : memref<1000xf32, #tpu.memory_space<hbm>>) target(%arg6 : memref<1000xf32, #tpu.memory_space<vmem>>) target_semaphore(%arg8 : memref<!tpu.dma_semaphore, #tpu.memory_space<semaphore_mem>>)
    %dma_start3A = tpu.memref_slice %arg2[%mul3A_2] : memref<16384xi32, #tpu.memory_space<hbm>> -> memref<1024xi32, #tpu.memory_space<hbm>>
    %dma_start3A_3 = tpu.memref_slice %arg2[%mul3A_2] : memref<16384xi32, #tpu.memory_space<hbm>> -> memref<1024xi32, #tpu.memory_space<hbm>>
    tpu.enqueue_dma source(%dma_start3A_3 : memref<1024xi32, #tpu.memory_space<hbm>>) target(%arg5 : memref<1024xi32, #tpu.memory_space<vmem>>) target_semaphore(%arg8 : memref<!tpu.dma_semaphore, #tpu.memory_space<semaphore_mem>>)
    tpu.wait_dma2 semaphore(%arg8 : memref<!tpu.dma_semaphore, #tpu.memory_space<semaphore_mem>>) src(%arg3 : memref<1000xf32, #tpu.memory_space<hbm>>) dst(%arg6 : memref<1000xf32, #tpu.memory_space<vmem>>)
    %dma_wait3A = tpu.memref_slice %arg2[%mul3A_2] : memref<16384xi32, #tpu.memory_space<hbm>> -> memref<1024xi32, #tpu.memory_space<hbm>>
    %dma_wait3A_4 = tpu.memref_slice %arg2[%mul3A_2] : memref<16384xi32, #tpu.memory_space<hbm>> -> memref<1024xi32, #tpu.memory_space<hbm>>
    tpu.wait_dma2 semaphore(%arg8 : memref<!tpu.dma_semaphore, #tpu.memory_space<semaphore_mem>>) src(%dma_wait3A_4 : memref<1024xi32, #tpu.memory_space<hbm>>) dst(%arg5 : memref<1024xi32, #tpu.memory_space<vmem>>)
    %parallel_loop3A = arith.constant 0 : i32
    %parallel_loop3A_5 = arith.constant 16 : i32
    %parallel_loop3A_6 = arith.constant 1 : i32
    scf.for %parallel_loop3A_72 = %parallel_loop3A to %parallel_loop3A_5 step %parallel_loop3A_6  : i32 {
      %parallel_loop3A_73 = arith.constant 16 : i32
      %parallel_loop3A_74 = arith.muli %parallel_loop3A_72, %parallel_loop3A_73 : i32
      %parallel_loop3A_75 = arith.index_cast %parallel_loop3A_74 : i32 to index
      %parallel_loop3A_76 = tpu.vector_load %arg5[%parallel_loop3A_75] {strides = array<i32>} : memref<1024xi32, #tpu.memory_space<vmem>>, vector<16xi32>,
      %parallel_loop3A_77 = tpu.vector_load_idx %arg6[%parallel_loop3A_76] : memref<1000xf32, #tpu.memory_space<vmem>>[vector<16xi32>], vector<16xf32>,
      %parallel_loop3A_78 = arith.constant 16 : i32
      %parallel_loop3A_79 = arith.muli %parallel_loop3A_72, %parallel_loop3A_78 : i32
      %parallel_loop3A_80 = arith.index_cast %parallel_loop3A_79 : i32 to index
      %parallel_loop3A_81 = tpu.vector_load %arg7[%parallel_loop3A_80] {strides = array<i32>} : memref<1024xf32, #tpu.memory_space<vmem>>, vector<16xf32>,
      tpu.vector_store %arg7[%parallel_loop3A_80], %parallel_loop3A_77 {strides = array<i32>} : memref<1024xf32, #tpu.memory_space<vmem>>, vector<16xf32>,
    } {sc.loop_unroll_factor = 8 : i64, sc.parallel_access}
    %add3A_7 = arith.constant 0 : i32
    %add3A_8 = arith.addi %mul3A_2, %add3A_7 : i32
    %dma_start3A_9 = arith.constant 0 : i32
    %dma_start3A_10 = tpu.memref_slice %arg7[%dma_start3A_9] : memref<1024xf32, #tpu.memory_space<vmem>> -> memref<256xf32, #tpu.memory_space<vmem>>
    %dma_start3A_11 = tpu.memref_slice %arg4[%add3A_8] : memref<16384xf32, #tpu.memory_space<hbm>> -> memref<256xf32, #tpu.memory_space<hbm>>
    %dma_start3A_12 = tpu.memref_slice %arg4[%add3A_8] : memref<16384xf32, #tpu.memory_space<hbm>> -> memref<256xf32, #tpu.memory_space<hbm>>
    %dma_start3A_13 = arith.constant 0 : i32
    %dma_start3A_14 = tpu.memref_slice %arg7[%dma_start3A_13] : memref<1024xf32, #tpu.memory_space<vmem>> -> memref<256xf32, #tpu.memory_space<vmem>>
    tpu.enqueue_dma source(%dma_start3A_14 : memref<256xf32, #tpu.memory_space<vmem>>) target(%dma_start3A_12 : memref<256xf32, #tpu.memory_space<hbm>>) target_semaphore(%arg8 : memref<!tpu.dma_semaphore, #tpu.memory_space<semaphore_mem>>)
    %parallel_loop3A_15 = arith.constant 16 : i32
    %parallel_loop3A_16 = arith.constant 32 : i32
    %parallel_loop3A_17 = arith.constant 1 : i32
    scf.for %parallel_loop3A_72 = %parallel_loop3A_15 to %parallel_loop3A_16 step %parallel_loop3A_17  : i32 {
      %parallel_loop3A_73 = arith.constant 16 : i32
      %parallel_loop3A_74 = arith.muli %parallel_loop3A_72, %parallel_loop3A_73 : i32
      %parallel_loop3A_75 = arith.index_cast %parallel_loop3A_74 : i32 to index
      %parallel_loop3A_76 = tpu.vector_load %arg5[%parallel_loop3A_75] {strides = array<i32>} : memref<1024xi32, #tpu.memory_space<vmem>>, vector<16xi32>,
      %parallel_loop3A_77 = tpu.vector_load_idx %arg6[%parallel_loop3A_76] : memref<1000xf32, #tpu.memory_space<vmem>>[vector<16xi32>], vector<16xf32>,
      %parallel_loop3A_78 = arith.constant 16 : i32
      %parallel_loop3A_79 = arith.muli %parallel_loop3A_72, %parallel_loop3A_78 : i32
      %parallel_loop3A_80 = arith.index_cast %parallel_loop3A_79 : i32 to index
      %parallel_loop3A_81 = tpu.vector_load %arg7[%parallel_loop3A_80] {strides = array<i32>} : memref<1024xf32, #tpu.memory_space<vmem>>, vector<16xf32>,
      tpu.vector_store %arg7[%parallel_loop3A_80], %parallel_loop3A_77 {strides = array<i32>} : memref<1024xf32, #tpu.memory_space<vmem>>, vector<16xf32>,
    } {sc.loop_unroll_factor = 8 : i64, sc.parallel_access}
    %add3A_18 = arith.constant 256 : i32
    %add3A_19 = arith.addi %mul3A_2, %add3A_18 : i32
    %dma_start3A_20 = arith.constant 256 : i32
    %dma_start3A_21 = tpu.memref_slice %arg7[%dma_start3A_20] : memref<1024xf32, #tpu.memory_space<vmem>> -> memref<256xf32, #tpu.memory_space<vmem>>
    %dma_start3A_22 = tpu.memref_slice %arg4[%add3A_19] : memref<16384xf32, #tpu.memory_space<hbm>> -> memref<256xf32, #tpu.memory_space<hbm>>
    %dma_start3A_23 = tpu.memref_slice %arg4[%add3A_19] : memref<16384xf32, #tpu.memory_space<hbm>> -> memref<256xf32, #tpu.memory_space<hbm>>
    %dma_start3A_24 = arith.constant 256 : i32
    %dma_start3A_25 = tpu.memref_slice %arg7[%dma_start3A_24] : memref<1024xf32, #tpu.memory_space<vmem>> -> memref<256xf32, #tpu.memory_space<vmem>>
    tpu.enqueue_dma source(%dma_start3A_25 : memref<256xf32, #tpu.memory_space<vmem>>) target(%dma_start3A_23 : memref<256xf32, #tpu.memory_space<hbm>>) target_semaphore(%arg8 : memref<!tpu.dma_semaphore, #tpu.memory_space<semaphore_mem>>)
    %parallel_loop3A_26 = arith.constant 32 : i32
    %parallel_loop3A_27 = arith.constant 48 : i32
    %parallel_loop3A_28 = arith.constant 1 : i32
    scf.for %parallel_loop3A_72 = %parallel_loop3A_26 to %parallel_loop3A_27 step %parallel_loop3A_28  : i32 {
      %parallel_loop3A_73 = arith.constant 16 : i32
      %parallel_loop3A_74 = arith.muli %parallel_loop3A_72, %parallel_loop3A_73 : i32
      %parallel_loop3A_75 = arith.index_cast %parallel_loop3A_74 : i32 to index
      %parallel_loop3A_76 = tpu.vector_load %arg5[%parallel_loop3A_75] {strides = array<i32>} : memref<1024xi32, #tpu.memory_space<vmem>>, vector<16xi32>,
      %parallel_loop3A_77 = tpu.vector_load_idx %arg6[%parallel_loop3A_76] : memref<1000xf32, #tpu.memory_space<vmem>>[vector<16xi32>], vector<16xf32>,
      %parallel_loop3A_78 = arith.constant 16 : i32
      %parallel_loop3A_79 = arith.muli %parallel_loop3A_72, %parallel_loop3A_78 : i32
      %parallel_loop3A_80 = arith.index_cast %parallel_loop3A_79 : i32 to index
      %parallel_loop3A_81 = tpu.vector_load %arg7[%parallel_loop3A_80] {strides = array<i32>} : memref<1024xf32, #tpu.memory_space<vmem>>, vector<16xf32>,
      tpu.vector_store %arg7[%parallel_loop3A_80], %parallel_loop3A_77 {strides = array<i32>} : memref<1024xf32, #tpu.memory_space<vmem>>, vector<16xf32>,
    } {sc.loop_unroll_factor = 8 : i64, sc.parallel_access}
    %add3A_29 = arith.constant 512 : i32
    %add3A_30 = arith.addi %mul3A_2, %add3A_29 : i32
    %dma_start3A_31 = arith.constant 512 : i32
    %dma_start3A_32 = tpu.memref_slice %arg7[%dma_start3A_31] : memref<1024xf32, #tpu.memory_space<vmem>> -> memref<256xf32, #tpu.memory_space<vmem>>
    %dma_start3A_33 = tpu.memref_slice %arg4[%add3A_30] : memref<16384xf32, #tpu.memory_space<hbm>> -> memref<256xf32, #tpu.memory_space<hbm>>
    %dma_start3A_34 = tpu.memref_slice %arg4[%add3A_30] : memref<16384xf32, #tpu.memory_space<hbm>> -> memref<256xf32, #tpu.memory_space<hbm>>
    %dma_start3A_35 = arith.constant 512 : i32
    %dma_start3A_36 = tpu.memref_slice %arg7[%dma_start3A_35] : memref<1024xf32, #tpu.memory_space<vmem>> -> memref<256xf32, #tpu.memory_space<vmem>>
    tpu.enqueue_dma source(%dma_start3A_36 : memref<256xf32, #tpu.memory_space<vmem>>) target(%dma_start3A_34 : memref<256xf32, #tpu.memory_space<hbm>>) target_semaphore(%arg8 : memref<!tpu.dma_semaphore, #tpu.memory_space<semaphore_mem>>)
    %parallel_loop3A_37 = arith.constant 48 : i32
    %parallel_loop3A_38 = arith.constant 64 : i32
    %parallel_loop3A_39 = arith.constant 1 : i32
    scf.for %parallel_loop3A_72 = %parallel_loop3A_37 to %parallel_loop3A_38 step %parallel_loop3A_39  : i32 {
      %parallel_loop3A_73 = arith.constant 16 : i32
      %parallel_loop3A_74 = arith.muli %parallel_loop3A_72, %parallel_loop3A_73 : i32
      %parallel_loop3A_75 = arith.index_cast %parallel_loop3A_74 : i32 to index
      %parallel_loop3A_76 = tpu.vector_load %arg5[%parallel_loop3A_75] {strides = array<i32>} : memref<1024xi32, #tpu.memory_space<vmem>>, vector<16xi32>,
      %parallel_loop3A_77 = tpu.vector_load_idx %arg6[%parallel_loop3A_76] : memref<1000xf32, #tpu.memory_space<vmem>>[vector<16xi32>], vector<16xf32>,
      %parallel_loop3A_78 = arith.constant 16 : i32
      %parallel_loop3A_79 = arith.muli %parallel_loop3A_72, %parallel_loop3A_78 : i32
      %parallel_loop3A_80 = arith.index_cast %parallel_loop3A_79 : i32 to index
      %parallel_loop3A_81 = tpu.vector_load %arg7[%parallel_loop3A_80] {strides = array<i32>} : memref<1024xf32, #tpu.memory_space<vmem>>, vector<16xf32>,
      tpu.vector_store %arg7[%parallel_loop3A_80], %parallel_loop3A_77 {strides = array<i32>} : memref<1024xf32, #tpu.memory_space<vmem>>, vector<16xf32>,
    } {sc.loop_unroll_factor = 8 : i64, sc.parallel_access}
    %add3A_40 = arith.constant 768 : i32
    %add3A_41 = arith.addi %mul3A_2, %add3A_40 : i32
    %dma_start3A_42 = arith.constant 768 : i32
    %dma_start3A_43 = tpu.memref_slice %arg7[%dma_start3A_42] : memref<1024xf32, #tpu.memory_space<vmem>> -> memref<256xf32, #tpu.memory_space<vmem>>
    %dma_start3A_44 = tpu.memref_slice %arg4[%add3A_41] : memref<16384xf32, #tpu.memory_space<hbm>> -> memref<256xf32, #tpu.memory_space<hbm>>
    %dma_start3A_45 = tpu.memref_slice %arg4[%add3A_41] : memref<16384xf32, #tpu.memory_space<hbm>> -> memref<256xf32, #tpu.memory_space<hbm>>
    %dma_start3A_46 = arith.constant 768 : i32
    %dma_start3A_47 = tpu.memref_slice %arg7[%dma_start3A_46] : memref<1024xf32, #tpu.memory_space<vmem>> -> memref<256xf32, #tpu.memory_space<vmem>>
    tpu.enqueue_dma source(%dma_start3A_47 : memref<256xf32, #tpu.memory_space<vmem>>) target(%dma_start3A_45 : memref<256xf32, #tpu.memory_space<hbm>>) target_semaphore(%arg8 : memref<!tpu.dma_semaphore, #tpu.memory_space<semaphore_mem>>)
    %dma_wait3A_48 = arith.constant 0 : i32
    %dma_wait3A_49 = tpu.memref_slice %arg7[%dma_wait3A_48] : memref<1024xf32, #tpu.memory_space<vmem>> -> memref<256xf32, #tpu.memory_space<vmem>>
    %dma_wait3A_50 = tpu.memref_slice %arg4[%add3A_8] : memref<16384xf32, #tpu.memory_space<hbm>> -> memref<256xf32, #tpu.memory_space<hbm>>
    %dma_wait3A_51 = tpu.memref_slice %arg4[%add3A_8] : memref<16384xf32, #tpu.memory_space<hbm>> -> memref<256xf32, #tpu.memory_space<hbm>>
    %dma_wait3A_52 = arith.constant 0 : i32
    %dma_wait3A_53 = tpu.memref_slice %arg7[%dma_wait3A_52] : memref<1024xf32, #tpu.memory_space<vmem>> -> memref<256xf32, #tpu.memory_space<vmem>>
    tpu.wait_dma2 semaphore(%arg8 : memref<!tpu.dma_semaphore, #tpu.memory_space<semaphore_mem>>) src(%dma_wait3A_53 : memref<256xf32, #tpu.memory_space<vmem>>) dst(%dma_wait3A_51 : memref<256xf32, #tpu.memory_space<hbm>>)
    %dma_wait3A_54 = arith.constant 256 : i32
    %dma_wait3A_55 = tpu.memref_slice %arg7[%dma_wait3A_54] : memref<1024xf32, #tpu.memory_space<vmem>> -> memref<256xf32, #tpu.memory_space<vmem>>
    %dma_wait3A_56 = tpu.memref_slice %arg4[%add3A_19] : memref<16384xf32, #tpu.memory_space<hbm>> -> memref<256xf32, #tpu.memory_space<hbm>>
    %dma_wait3A_57 = tpu.memref_slice %arg4[%add3A_19] : memref<16384xf32, #tpu.memory_space<hbm>> -> memref<256xf32, #tpu.memory_space<hbm>>
    %dma_wait3A_58 = arith.constant 256 : i32
    %dma_wait3A_59 = tpu.memref_slice %arg7[%dma_wait3A_58] : memref<1024xf32, #tpu.memory_space<vmem>> -> memref<256xf32, #tpu.memory_space<vmem>>
    tpu.wait_dma2 semaphore(%arg8 : memref<!tpu.dma_semaphore, #tpu.memory_space<semaphore_mem>>) src(%dma_wait3A_59 : memref<256xf32, #tpu.memory_space<vmem>>) dst(%dma_wait3A_57 : memref<256xf32, #tpu.memory_space<hbm>>)
    %dma_wait3A_60 = arith.constant 512 : i32
    %dma_wait3A_61 = tpu.memref_slice %arg7[%dma_wait3A_60] : memref<1024xf32, #tpu.memory_space<vmem>> -> memref<256xf32, #tpu.memory_space<vmem>>
    %dma_wait3A_62 = tpu.memref_slice %arg4[%add3A_30] : memref<16384xf32, #tpu.memory_space<hbm>> -> memref<256xf32, #tpu.memory_space<hbm>>
    %dma_wait3A_63 = tpu.memref_slice %arg4[%add3A_30] : memref<16384xf32, #tpu.memory_space<hbm>> -> memref<256xf32, #tpu.memory_space<hbm>>
    %dma_wait3A_64 = arith.constant 512 : i32
    %dma_wait3A_65 = tpu.memref_slice %arg7[%dma_wait3A_64] : memref<1024xf32, #tpu.memory_space<vmem>> -> memref<256xf32, #tpu.memory_space<vmem>>
    tpu.wait_dma2 semaphore(%arg8 : memref<!tpu.dma_semaphore, #tpu.memory_space<semaphore_mem>>) src(%dma_wait3A_65 : memref<256xf32, #tpu.memory_space<vmem>>) dst(%dma_wait3A_63 : memref<256xf32, #tpu.memory_space<hbm>>)
    %dma_wait3A_66 = arith.constant 768 : i32
    %dma_wait3A_67 = tpu.memref_slice %arg7[%dma_wait3A_66] : memref<1024xf32, #tpu.memory_space<vmem>> -> memref<256xf32, #tpu.memory_space<vmem>>
    %dma_wait3A_68 = tpu.memref_slice %arg4[%add3A_41] : memref<16384xf32, #tpu.memory_space<hbm>> -> memref<256xf32, #tpu.memory_space<hbm>>
    %dma_wait3A_69 = tpu.memref_slice %arg4[%add3A_41] : memref<16384xf32, #tpu.memory_space<hbm>> -> memref<256xf32, #tpu.memory_space<hbm>>
    %dma_wait3A_70 = arith.constant 768 : i32
    %dma_wait3A_71 = tpu.memref_slice %arg7[%dma_wait3A_70] : memref<1024xf32, #tpu.memory_space<vmem>> -> memref<256xf32, #tpu.memory_space<vmem>>
    tpu.wait_dma2 semaphore(%arg8 : memref<!tpu.dma_semaphore, #tpu.memory_space<semaphore_mem>>) src(%dma_wait3A_71 : memref<256xf32, #tpu.memory_space<vmem>>) dst(%dma_wait3A_69 : memref<256xf32, #tpu.memory_space<hbm>>)
    return
  }
}

</mosaic_0001>

<sc_bundles>
// kernel: kernel.3.cloned.1.call-start
scs
__scs_entry_jumppad:
0x0: {  	(pc) =	sbr.rel $0x88, $3  }
0x1: {  	(tag) =	ssettag $0x0;
	lr =	simm.s32 $0x1  }
0x2: {  	[smem:$0x3F9F] =	sst lr;
	_ =	strace $0xD0000000  }
0x3: {  	_ = 	snop  }
0x4: {  	_ = 	snop  }
0x5: {  	_ = 	snop  }
0x6: {  	_ = 	snop  }
0x7: {  	_ = 	snop  }
__scs_overlays_trampoline_lowered:
0x8: {  	[smem:$0x3FAE] =	sst s0  }
0x9: {  	[smem:$0x3FAF] =	sst s1  }
0xa: {  	[smem:$0x3FB0] =	sst s2  }
0xb: {  	[smem:$0x3FB1] =	sst s3  }
0xc: {  	[smem:$0x3FB2] =	sst s4  }
0xd: {  	[smem:$0x3FB3] =	sst s5  }
0xe: {  	[smem:$0x3FB4] =	sst s6  }
0xf: {  	[smem:$0x3FB5] =	sst s7  }
0x10: {  	[smem:$0x3FB6] =	sst s8  }
0x11: {  	[smem:$0x3FB7] =	sst s9;
	s0 =	simm.s32 @!p0 $0x0  }
0x12: {  	s1 =	sld [smem:$0x3F9D];
	s0 =	simm.s32 @p0 $0x1  }
0x13: {  	[smem:$0x3FB8] =	sst s0;
	s0 =	simm.s32 @!p1 $0x0  }
0x14: {  	s2 =	sld [smem:$0x3F9C];
	s0 =	simm.s32 @p1 $0x1  }
0x15: {  	[smem:$0x3FB9] =	sst s0;
	s0 =	simm.s32 @!p2 $0x0  }
0x16: {  	s3 =	sld [smem:$0x3FDB];
	s0 =	simm.s32 @p2 $0x1  }
0x17: {  	s4 =	simm.s32 $0x1BF5;
	[smem:$0x3FBB] =	sst s0  }
0x18: {  	s0 =	sld [smem:$0x3F9E];
	_ =	swait.ge [sflag:s4], $0x0  }
0x19: {  	s7 =	sld [smem:$0x3F9F]  }
0x1a: {  	s8 =	sadd.s32 $0xFFFFE003, lr  }
0x1b: {  	s9 =	sadd.s32 $0xFFFFFEF7, lr;
	s5 =	simm.s32 $0xFFFFFFFF;
	p2 =	slt.u32 s8, $0xFFFFF086  }
0x1c: {  	p1 =	slt.u32 s9, $0xF7A;
	s5 =	simm.s32 @!p2 $0x0  }
0x1d: {  	s5 =	simm.s32 @p1 $0x1;
	p0 =	seq.s32 s7, s2  }
0x1e: {  	s7 =	smul.u32 @!p0 $0xF7A, s2;
	p2 =	seq.s32 @!p0 s5, $0x0  }
0x1f: {  	s9 =	smul.u32 $0xF7A, s1;
	s8 =	simm.s32 @!p0 $0x1BF5;
	p2 =	por !p2, p0  }
0x20: {  	[sflag:s8] =	ssyncset.s32 @!p0 $0xFFFFF086;
	s6 =	sadd.s32 @!p0 s3, s7;
	s7 =	simm.s32 @!p0 $0x108  }
0x21: {  	s3 =	sadd.s32 s3, s9;
	s6 =	sadd.s32 @!p0 $0x88, s6;
	s7 =	simm.s32 @p2 $0x1082  }
0x22: {  	[simem:s7], [sflag:s8] =	dma.local @!p0 [hbm:s6], $0xF7A  }
0x23: {  	s9 =	sor.u32 $0xD0000000, s2;
	s6 =	simm.s32 $0x108;
	_ =	swait.ge @!p0 [sflag:s8], $0x0  }
0x24: {  	s3 =	sadd.s32 $0x88, s3;
	s6 =	simm.s32 @!p1 $0x1082;
	[sflag:s4] =	ssyncset.s32 $0xFFFFF086  }
0x25: {  	[simem:s6], [sflag:s4] =	dma.local [hbm:s3], $0xF7A  }
0x26: {  	[smem:$0x3F9F] =	sst s1;
	(tag) =	ssettag s2;
	_ =	strace s9  }
0x27: {  	s1 =	sld [smem:$0x3FAF]  }
0x28: {  	s2 =	sld [smem:$0x3FB0]  }
0x29: {  	s4 =	sld [smem:$0x3FB2]  }
0x2a: {  	p0 =	seq.s32 s5, $0x0;
	s5 =	sld [smem:$0x3FB3]  }
0x2b: {  	s6 =	sld [smem:$0x3FB4]  }
0x2c: {  	s7 =	sld [smem:$0x3FB5]  }
0x2d: {  	s3 =	simm.s32 $0x108;
	s8 =	sld [smem:$0x3FB6]  }
0x2e: {  	s3 =	simm.s32 @!p0 $0x1082;
	s9 =	sld [smem:$0x3FB7]  }
0x2f: {  	lr =	sadd.s32 s0, s3;
	s0 =	sld [smem:$0x3FAE]  }
0x30: {  	s3 =	sld [smem:$0x3FB1]  }
0x31: {  	[smem:$0x3FBA] =	sst s10  }
0x32: {  	s10 =	sld [smem:$0x3FB8];
	_ =	sdelay $0x3  }
0x33: {  	p0 =	seq.s32 s10, $0x1;
	s10 =	sld [smem:$0x3FBA];
	_ =	sdelay $0x3  }
0x34: {  	[smem:$0x3FBA] =	sst s10  }
0x35: {  	s10 =	sld [smem:$0x3FB9];
	_ =	sdelay $0x3  }
0x36: {  	p1 =	seq.s32 s10, $0x1;
	s10 =	sld [smem:$0x3FBA];
	_ =	sdelay $0x3  }
0x37: {  	[smem:$0x3FBA] =	sst s10  }
0x38: {  	s10 =	sld [smem:$0x3FBB]  }
0x39: {  	_ = 	snop;
	(pc) =	sbr.ind lr, $3  }
0x3a: {  	_ = 	snop  }
0x3b: {  	_ = 	snop  }
0x3c: {  	p2 =	seq.s32 s10, $0x1;
	s10 =	sld [smem:$0x3FBA]  }
0x3d: {  	_ =	shalt  }
0x3e: {  	_ =	shalt  }
0x3f: {  	_ =	shalt  }
0x40: {  	_ =	shalt  }
0x41: {  	_ =	shalt  }
0x42: {  	_ =	shalt  }
0x43: {  	_ =	shalt  }
0x44: {  	_ =	shalt  }
0x45: {  	_ =	shalt  }
0x46: {  	_ =	shalt  }
0x47: {  	_ =	shalt  }
0x48: {  	_ =	shalt  }
0x49: {  	_ =	shalt  }
0x4a: {  	_ =	shalt  }
0x4b: {  	_ =	shalt  }
0x4c: {  	_ =	shalt  }
0x4d: {  	_ =	shalt  }
0x4e: {  	_ =	shalt  }
0x4f: {  	_ =	shalt  }
0x50: {  	_ =	shalt  }
0x51: {  	_ =	shalt  }
0x52: {  	_ =	shalt  }
0x53: {  	_ =	shalt  }
0x54: {  	_ =	shalt  }
0x55: {  	_ =	shalt  }
0x56: {  	_ =	shalt  }
0x57: {  	_ =	shalt  }
0x58: {  	_ =	shalt  }
0x59: {  	_ =	shalt  }
0x5a: {  	_ =	shalt  }
0x5b: {  	_ =	shalt  }
0x5c: {  	_ =	shalt  }
0x5d: {  	_ =	shalt  }
0x5e: {  	_ =	shalt  }
0x5f: {  	_ =	shalt  }
0x60: {  	_ =	shalt  }
0x61: {  	_ =	shalt  }
0x62: {  	_ =	shalt  }
0x63: {  	_ =	shalt  }
0x64: {  	_ =	shalt  }
0x65: {  	_ =	shalt  }
0x66: {  	_ =	shalt  }
0x67: {  	_ =	shalt  }
0x68: {  	_ =	shalt  }
0x69: {  	_ =	shalt  }
0x6a: {  	_ =	shalt  }
0x6b: {  	_ =	shalt  }
0x6c: {  	_ =	shalt  }
0x6d: {  	_ =	shalt  }
0x6e: {  	_ =	shalt  }
0x6f: {  	_ =	shalt  }
0x70: {  	_ =	shalt  }
0x71: {  	_ =	shalt  }
0x72: {  	_ =	shalt  }
0x73: {  	_ =	shalt  }
0x74: {  	_ =	shalt  }
0x75: {  	_ =	shalt  }
0x76: {  	_ =	shalt  }
0x77: {  	_ =	shalt  }
0x78: {  	_ =	shalt  }
0x79: {  	_ =	shalt  }
0x7a: {  	_ =	shalt  }
0x7b: {  	_ =	shalt  }
0x7c: {  	_ =	shalt  }
0x7d: {  	_ =	shalt  }
0x7e: {  	_ =	shalt  }
0x7f: {  	_ =	shalt  }
0x80: {  	_ =	shalt  }
0x81: {  	_ =	shalt  }
0x82: {  	_ =	shalt  }
0x83: {  	_ =	shalt  }
0x84: {  	_ =	shalt  }
0x85: {  	_ =	shalt  }
0x86: {  	_ =	shalt  }
0x87: {  	_ =	shalt  }
.Lfunc_end0:
.L_simem_size_0:
called_computation_lowered:
.L_overlay_start_0:
0x88: {  	s0 =	sld [smem:$0x3FD9]  }
0x89: {  	s1 =	sld [smem:$0x3FFE];
	_ =	sdelay $0x3  }
0x8a: {  	s0 =	sadd.s32 s1, s0  }
0x8b: {  	[smem:$0x3FC6] =	sst s0  }
0x8c: {  	_ = 	snop  }
0x8d: {  	s0 =	sld [smem:$0x3FC9]  }
0x8e: {  	s16 =	sld [smem:$0x3FD0];
	(tm) =	ssettm $0x1  }
0x8f: {  	s2 =	sld [smem:$0x3FFB];
	_ =	sdelay $0x3  }
0x90: {  	_ =	strace s2  }
0x91: {  	s2 =	sld [smem:$0x3FFC];
	_ =	sdelay $0x3  }
0x92: {  	_ =	strace s2  }
0x93: {  	s2 =	sld [smem:$0x3FFD];
	_ =	sdelay $0x3  }
0x94: {  	_ =	strace s2  }
0x95: {  	_ =	strace $0x8FFFFFFF  }
0x96: {  	s17 =	sld [smem:$0x3FDB];
	_ =	sdelay $0x1  }
0x97: {  	s3 =	simm.s32 $_scs_section_size  }
0x98: {  	s4 =	simm.s32 $_size__tile_overlayer_lowered;
	s5 =	simm.s32 $_tile_overlayer_lowered  }
0x99: {  	s20 =	simm.s32 $0x1BFF;
	s19 =	sshll.u32 s5, $0x1;
	s2 =	sadd.s32 s3, s17  }
0x9a: {  	s6 =	simm.s32 $0x0;
	s18 =	sshll.u32 s4, $0x1;
	s4 =	sadd.s32 s19, s2  }
0x9b: {  	[timem:s6], [sflag:s20] =	dma.local [hbm:s4], s18  }
0x9c: {  	_ =	swait.ge [sflag:s20], s18  }
0x9d: {  	s3 =	ssub.s32 $0x0, s18;
	[sflag:s20] =	ssyncset.done $0x0  }
0x9e: {  	[sflag:s20] =	ssyncadd.s32 s3;
	_ =	sdelay $0x1  }
0x9f: {  	s21 =	simm.s32 $0x1B8B  }
0xa0: {  	_ =	swait.ge [sflag:s21], $0x1  }
0xa1: {  	[sflag:s21] =	ssyncset.done $0x0  }
0xa2: {  	s23 =	simm.s32 $0x1B8E;
	s22 =	sld [smem:$0x3FFE];
	[sflag:s21] =	ssyncadd.s32 $0xFFFFFFFF  }
0xa3: {  	s24 =	simm.s32 $execute0_lowered;
	[smem:$0x3FD2] =	sst s23  }
0xa4: {  	s4 =	sshll.u32 s24, $0x1;
	_ =	strace $0x80000046;
	[dreg:$0x1] =	wrdreg $0xFFFFFFFF  }
0xa5: {  	s25 =	simm.s32 $_size_execute0_lowered;
	s2 =	sadd.s32 s2, s4;
	[dreg:$0x0] =	wrdreg $0x0  }
0xa6: {  	s4 =	sshll.u32 s25, $0x1;
	[dreg:$0x2] =	wrdreg s2  }
0xa7: {  	[dreg:$0x3] =	wrdreg s4  }
0xa8: {  	[dreg:$0x4] =	wrdreg $0xC0  }
0xa9: {  	_ =	task [dreg:s6], $0x5FFFF  }
0xaa: {  	[dreg:$0x1] =	wrdreg $0xFFFFFFFF  }
0xab: {  	[dreg:$0x0] =	wrdreg $0x60  }
0xac: {  	[dreg:$0x2] =	wrdreg s22  }
0xad: {  	[dreg:$0x3] =	wrdreg s0  }
0xae: {  	[dreg:$0x4] =	wrdreg s16  }
0xaf: {  	[dreg:$0x5] =	wrdreg $0x9  }
0xb0: {  	_ =	task.clear_ibuf [dreg:s6], $0x6FFFF;
	_ =	strace $0x90000046  }
0xb1: {  	s26 =	simm.s32 $0x9;
	_ =	strace $0x80000048  }
0xb2: {  	_ =	swait.ge [sflag:s26], $0x1  }
0xb3: {  	[sflag:s26] =	ssyncadd.s32 $0xFFFFFFFF  }
0xb4: {  	_ =	strace $0x90000048  }
0xb5: {  	_ =	sfence  }
0xb6: {  	s28 =	sld [smem:$0x0];
	_ =	sdelay $0x1  }
0xb7: {  	s29 =	srdreg.scid  }
0xb8: {  	s30 =	sshll.u32 s29, $0xD;
	s31 =	sshrl.u32 s29, $0x2  }
0xb9: {  	s1 =	sand.u32 $0x1, s29;
	s2 =	sand.u32 $0x4000, s30;
	s0 =	sadd.s32 s31, s28  }
0xba: {  	s1 =	sor.u32 s2, s1;
	s0 =	sshll.u32 s0, $0x11  }
0xbb: {  	s0 =	sor.u32 s0, s1  }
0xbc: {  	s0 =	sadd.s32 $0x8F2B, s0  }
0xbd: {  	[sflag:s0] =	ssyncadd.remote.s32 $0x1  }
0xbe: {  	_ =	sfence.sel $0xFFFF  }
0xbf: {  	[dreg:$0x0] =	wrdreg $0xFFFFFFFF;
	(pc) =	sbr.abs _section_cstart, $3  }
0xc0: {  	[dreg:$0x1] =	wrdreg $0xFFFFFFFF  }
0xc1: {  	_ =	task.clear_ibuf [dreg:s6], $0x2FFFF;
	_ =	strace $0x9FFFFFFF  }
0xc2: {  	(tm) =	ssettm $0x7FFFFFFF  }
0xc3: {  	_ =	shalt  }
tec
execute0_lowered:
.L_overlay_start_1:
0x0: {  	(tag) =	ssettag $0x1  }
0x1: {  	s5 =	rddreg [dreg:$0x0]  }
0x2: {  	s6 =	rddreg [dreg:$0x1]  }
0x3: {  	s2 =	rddreg [dreg:$0x2]  }
0x4: {  	s0 =	rddreg [dreg:$0x3];
	s4 =	simm.s32 $0x0;
	s1 =	stileid.u32  }
0x5: {  	[smem:$0x7FF] =	sst s4;
	s3 =	sshll.u32 s1, $0x7  }
0x6: {  	_ =	strace $0x80000047;
	s7 =	sadd.s32 s3, s5;
	s5 =	simm.s32 $0x400  }
0x7: {  	[tilespmem:s5], [sflag:$0x1] =	stream.linear.gather [hbm4b:s6+s4], $0x400, $0x38;
	[tilespmem:$0xC00] =	vst v63  }
0x8: {  	s31 =	simm.s32 $0x1;
	s30 =	sadd.s32 $0x400, s7  }
0x9: {  	[tilespmem:s4], [sflag:$0x1] =	stream.linear.gather [hbm4b:s30+s4], $0x400, $0x38;
	[tilespmem:$0xC00] =	vst v63  }
0xa: {  	_ =	swait.ge [sflag:s31], $0x400  }
0xb: {  	[sflag:s31] =	ssyncset.done $0x0  }
0xc: {  	[sflag:s31] =	ssyncadd.s32 $0xFFFFFC00  }
0xd: {  	_ =	swait.ge [sflag:s31], $0x400  }
0xe: {  	[sflag:s31] =	ssyncset.done $0x0  }
0xf: {  	p0 =	por $0x1, $0x1;
	[sflag:s31] =	ssyncadd.s32 $0xFFFFFC00  }
.LBB2_1:
0x10: {  	v0 =	vld [tilespmem:s4+$0x0];
	s6 =	sor.u32 $0x10, s4  }
0x11: {  	s25 =	sor.u32 $0x20, s4;
	v1 =	vld [tilespmem:s6+$0x0]  }
0x12: {  	s26 =	sor.u32 $0x30, s4;
	v2 =	vld [tilespmem:s25+$0x0]  }
0x13: {  	s28 =	sor.u32 $0x40, s4;
	v3 =	vld [tilespmem:s26+$0x0]  }
0x14: {  	s29 =	sor.u32 $0x50, s4;
	v4 =	vld [tilespmem:s28+$0x0]  }
0x15: {  	s30 =	sor.u32 $0x60, s4;
	v5 =	vld [tilespmem:s29+$0x0]  }
0x16: {  	s31 =	sor.u32 $0x70, s4;
	v6 =	vld [tilespmem:s30+$0x0]  }
0x17: {  	v7 =	vld [tilespmem:s31+$0x0]  }
0x18: {  	v0 =	vld.idx.msk [tilespmem:v0+s5+$0x0], $0xffff  }
0x19: {  	v1 =	vld.idx.msk [tilespmem:v1+s5+$0x0], $0xffff  }
0x1a: {  	v2 =	vld.idx.msk [tilespmem:v2+s5+$0x0], $0xffff  }
0x1b: {  	v3 =	vld.idx.msk [tilespmem:v3+s5+$0x0], $0xffff  }
0x1c: {  	v4 =	vld.idx.msk [tilespmem:v4+s5+$0x0], $0xffff  }
0x1d: {  	v61 =	vld.idx.msk [tilespmem:v5+s5+$0x0], $0xffff;
	[tilespmem:s4+$0x800] =	vst v0  }
0x1e: {  	v62 =	vld.idx.msk [tilespmem:v6+s5+$0x0], $0xffff;
	[tilespmem:s4+$0x810] =	vst v1  }
0x1f: {  	p1 =	por p0, p0;
	v63 =	vld.idx.msk [tilespmem:v7+s5+$0x0], $0xffff;
	[tilespmem:s4+$0x820] =	vst v2  }
.Ltmp0:
0x20: {  	[tilespmem:s4+$0x830] =	vst v3;
	(pc) =	sbr.rel @p1 .LBB2_1-.Ltmp0, $4  }
0x21: {  	[tilespmem:s4+$0x840] =	vst v4  }
0x22: {  	[tilespmem:s4+$0x850] =	vst v61  }
0x23: {  	[tilespmem:s4+$0x860] =	vst v62  }
0x24: {  	p0 =	por $0x0, $0x0;
	[tilespmem:s4+$0x870] =	vst v63;
	s4 =	simm.s32 $0x80  }
0x25: {  	s4 =	sadd.s32 s2, s3  }
0x26: {  	s5 =	simm.s32 $0x0;
	s6 =	simm.s32 $0x800;
	s31 =	simm.s32 $0x170  }
0x27: {  	[hbm4b:s4+s5] =	stream.linear.scatter [tilespmem:s6], [sflag:$0x1], $0x100, $0x38;
	[tilespmem:$0xC00] =	vst v63  }
0x28: {  	v0 =	vld [tilespmem:s31+$0x0]  }
0x29: {  	v1 =	vld [tilespmem:s31+$0xFFFFFFA0]  }
0x2a: {  	v2 =	vld [tilespmem:s31+$0xFFFFFFB0]  }
0x2b: {  	v3 =	vld [tilespmem:s31+$0xFFFFFFC0]  }
0x2c: {  	v4 =	vld [tilespmem:s31+$0xFFFFFFD0]  }
0x2d: {  	v6 =	vld [tilespmem:s31+$0xFFFFFFE0]  }
0x2e: {  	v7 =	vld [tilespmem:s31+$0xFFFFFFF0]  }
0x2f: {  	s5 =	simm.s32 $0x400;
	v8 =	vld [tilespmem:s31+$0xFFFFFF90]  }
0x30: {  	v9 =	vld.idx.msk [tilespmem:v0+s5+$0x0], $0xffff  }
0x31: {  	v10 =	vld.idx.msk [tilespmem:v1+s5+$0x0], $0xffff  }
0x32: {  	v5 =	vld.idx.msk [tilespmem:v2+s5+$0x0], $0xffff  }
0x33: {  	v3 =	vld.idx.msk [tilespmem:v3+s5+$0x0], $0xffff  }
0x34: {  	v0 =	vld.idx.msk [tilespmem:v4+s5+$0x0], $0xffff  }
0x35: {  	s4 =	simm.s32 $0x970;
	v1 =	vld.idx.msk [tilespmem:v6+s5+$0x0], $0xffff  }
0x36: {  	v2 =	vld.idx.msk [tilespmem:v7+s5+$0x0], $0xffff;
	[tilespmem:s4+$0x0] =	vst v9  }
0x37: {  	s7 =	simm.s32 $0x1F0;
	s6 =	simm.s32 $0x10;
	v4 =	vld.idx.msk [tilespmem:v8+s5+$0x0], $0xffff;
	[tilespmem:s4+$0xFFFFFFA0] =	vst v10  }
.LBB2_3:
0x38: {  	v6 =	vld [tilespmem:s7+$0x0];
	s6 =	sadd.s32 $0x8, s6;
	[tilespmem:s4+$0xFFFFFFB0] =	vst v5  }
0x39: {  	v5 =	vld [tilespmem:s7+$0xFFFFFFA0];
	p0 =	slt.u32 s6, $0x18;
	[tilespmem:s4+$0xFFFFFFC0] =	vst v3  }
0x3a: {  	v3 =	vld [tilespmem:s7+$0xFFFFFFB0];
	[tilespmem:s4+$0xFFFFFFD0] =	vst v0  }
0x3b: {  	v0 =	vld [tilespmem:s7+$0xFFFFFFC0];
	[tilespmem:s4+$0xFFFFFFE0] =	vst v1  }
0x3c: {  	v1 =	vld [tilespmem:s7+$0xFFFFFFD0];
	[tilespmem:s4+$0xFFFFFFF0] =	vst v2  }
0x3d: {  	v2 =	vld [tilespmem:s7+$0xFFFFFFE0];
	[tilespmem:s4+$0xFFFFFF90] =	vst v4  }
0x3e: {  	v4 =	vld [tilespmem:s7+$0xFFFFFFF0]  }
0x3f: {  	v7 =	vld [tilespmem:s7+$0xFFFFFF90]  }
0x40: {  	v6 =	vld.idx.msk [tilespmem:v6+s5+$0x0], $0xffff  }
0x41: {  	v8 =	vld.idx.msk [tilespmem:v5+s5+$0x0], $0xffff  }
0x42: {  	v5 =	vld.idx.msk [tilespmem:v3+s5+$0x0], $0xffff  }
.Ltmp1:
0x43: {  	v3 =	vld.idx.msk [tilespmem:v0+s5+$0x0], $0xffff;
	(pc) =	sbr.rel @p0 .LBB2_3-.Ltmp1, $4  }
0x44: {  	v0 =	vld.idx.msk [tilespmem:v1+s5+$0x0], $0xffff  }
0x45: {  	s4 =	sadd.s32 $0x80, s4;
	v1 =	vld.idx.msk [tilespmem:v2+s5+$0x0], $0xffff  }
0x46: {  	v2 =	vld.idx.msk [tilespmem:v4+s5+$0x0], $0xffff;
	[tilespmem:s4+$0x0] =	vst v6  }
0x47: {  	s7 =	sadd.s32 $0x80, s7;
	v4 =	vld.idx.msk [tilespmem:v7+s5+$0x0], $0xffff;
	[tilespmem:s4+$0xFFFFFFA0] =	vst v8  }
0x48: {  	[tilespmem:s4+$0xFFFFFFB0] =	vst v5  }
0x49: {  	[tilespmem:s4+$0xFFFFFFC0] =	vst v3  }
0x4a: {  	[tilespmem:s4+$0xFFFFFFD0] =	vst v0  }
0x4b: {  	[tilespmem:s4+$0xFFFFFFE0] =	vst v1  }
0x4c: {  	s2 =	sadd.s32 s3, s2;
	s30 =	simm.s32 $0x0;
	[tilespmem:s4+$0xFFFFFFF0] =	vst v2  }
0x4d: {  	s5 =	simm.s32 $0x900;
	s31 =	simm.s32 $0x270;
	s3 =	sadd.s32 $0x20, s2;
	[tilespmem:s4+$0xFFFFFF90] =	vst v4  }
0x4e: {  	[hbm4b:s3+s30] =	stream.linear.scatter [tilespmem:s5], [sflag:$0x1], $0x100, $0x38;
	[tilespmem:$0xC00] =	vst v63  }
0x4f: {  	v0 =	vld [tilespmem:s31+$0x0]  }
0x50: {  	v1 =	vld [tilespmem:s31+$0xFFFFFFA0]  }
0x51: {  	v2 =	vld [tilespmem:s31+$0xFFFFFFB0]  }
0x52: {  	v3 =	vld [tilespmem:s31+$0xFFFFFFC0]  }
0x53: {  	v4 =	vld [tilespmem:s31+$0xFFFFFFD0]  }
0x54: {  	v6 =	vld [tilespmem:s31+$0xFFFFFFE0]  }
0x55: {  	v7 =	vld [tilespmem:s31+$0xFFFFFFF0]  }
0x56: {  	s3 =	simm.s32 $0x400;
	v8 =	vld [tilespmem:s31+$0xFFFFFF90]  }
0x57: {  	v9 =	vld.idx.msk [tilespmem:v0+s3+$0x0], $0xffff  }
0x58: {  	v10 =	vld.idx.msk [tilespmem:v1+s3+$0x0], $0xffff  }
0x59: {  	v5 =	vld.idx.msk [tilespmem:v2+s3+$0x0], $0xffff  }
0x5a: {  	v3 =	vld.idx.msk [tilespmem:v3+s3+$0x0], $0xffff  }
0x5b: {  	v0 =	vld.idx.msk [tilespmem:v4+s3+$0x0], $0xffff  }
0x5c: {  	s4 =	simm.s32 $0xA70;
	v1 =	vld.idx.msk [tilespmem:v6+s3+$0x0], $0xffff  }
0x5d: {  	v2 =	vld.idx.msk [tilespmem:v7+s3+$0x0], $0xffff;
	[tilespmem:s4+$0x0] =	vst v9  }
0x5e: {  	s6 =	simm.s32 $0x2F0;
	s5 =	simm.s32 $0x20;
	v4 =	vld.idx.msk [tilespmem:v8+s3+$0x0], $0xffff;
	[tilespmem:s4+$0xFFFFFFA0] =	vst v10  }
.LBB2_5:
0x5f: {  	v6 =	vld [tilespmem:s6+$0x0];
	s5 =	sadd.s32 $0x8, s5;
	[tilespmem:s4+$0xFFFFFFB0] =	vst v5  }
0x60: {  	v5 =	vld [tilespmem:s6+$0xFFFFFFA0];
	p0 =	slt.u32 s5, $0x28;
	[tilespmem:s4+$0xFFFFFFC0] =	vst v3  }
0x61: {  	v3 =	vld [tilespmem:s6+$0xFFFFFFB0];
	[tilespmem:s4+$0xFFFFFFD0] =	vst v0  }
0x62: {  	v0 =	vld [tilespmem:s6+$0xFFFFFFC0];
	[tilespmem:s4+$0xFFFFFFE0] =	vst v1  }
0x63: {  	v1 =	vld [tilespmem:s6+$0xFFFFFFD0];
	[tilespmem:s4+$0xFFFFFFF0] =	vst v2  }
0x64: {  	v2 =	vld [tilespmem:s6+$0xFFFFFFE0];
	[tilespmem:s4+$0xFFFFFF90] =	vst v4  }
0x65: {  	v4 =	vld [tilespmem:s6+$0xFFFFFFF0]  }
0x66: {  	v7 =	vld [tilespmem:s6+$0xFFFFFF90]  }
0x67: {  	v6 =	vld.idx.msk [tilespmem:v6+s3+$0x0], $0xffff  }
0x68: {  	v8 =	vld.idx.msk [tilespmem:v5+s3+$0x0], $0xffff  }
0x69: {  	v5 =	vld.idx.msk [tilespmem:v3+s3+$0x0], $0xffff  }
.Ltmp2:
0x6a: {  	v3 =	vld.idx.msk [tilespmem:v0+s3+$0x0], $0xffff;
	(pc) =	sbr.rel @p0 .LBB2_5-.Ltmp2, $4  }
0x6b: {  	v0 =	vld.idx.msk [tilespmem:v1+s3+$0x0], $0xffff  }
0x6c: {  	s4 =	sadd.s32 $0x80, s4;
	v1 =	vld.idx.msk [tilespmem:v2+s3+$0x0], $0xffff  }
0x6d: {  	v2 =	vld.idx.msk [tilespmem:v4+s3+$0x0], $0xffff;
	[tilespmem:s4+$0x0] =	vst v6  }
0x6e: {  	s6 =	sadd.s32 $0x80, s6;
	v4 =	vld.idx.msk [tilespmem:v7+s3+$0x0], $0xffff;
	[tilespmem:s4+$0xFFFFFFA0] =	vst v8  }
0x6f: {  	[tilespmem:s4+$0xFFFFFFB0] =	vst v5  }
0x70: {  	[tilespmem:s4+$0xFFFFFFC0] =	vst v3  }
0x71: {  	[tilespmem:s4+$0xFFFFFFD0] =	vst v0  }
0x72: {  	[tilespmem:s4+$0xFFFFFFE0] =	vst v1  }
0x73: {  	s3 =	sadd.s32 $0x40, s2;
	[tilespmem:s4+$0xFFFFFFF0] =	vst v2  }
0x74: {  	s30 =	simm.s32 $0x0;
	s5 =	simm.s32 $0xA00;
	s31 =	simm.s32 $0x370;
	[tilespmem:s4+$0xFFFFFF90] =	vst v4  }
0x75: {  	[hbm4b:s3+s30] =	stream.linear.scatter [tilespmem:s5], [sflag:$0x1], $0x100, $0x38;
	[tilespmem:$0xC00] =	vst v63  }
0x76: {  	v0 =	vld [tilespmem:s31+$0x0]  }
0x77: {  	v1 =	vld [tilespmem:s31+$0xFFFFFFA0]  }
0x78: {  	v2 =	vld [tilespmem:s31+$0xFFFFFFB0]  }
0x79: {  	v3 =	vld [tilespmem:s31+$0xFFFFFFC0]  }
0x7a: {  	v4 =	vld [tilespmem:s31+$0xFFFFFFD0]  }
0x7b: {  	v6 =	vld [tilespmem:s31+$0xFFFFFFE0]  }
0x7c: {  	v7 =	vld [tilespmem:s31+$0xFFFFFFF0]  }
0x7d: {  	s3 =	simm.s32 $0x400;
	v8 =	vld [tilespmem:s31+$0xFFFFFF90]  }
0x7e: {  	v9 =	vld.idx.msk [tilespmem:v0+s3+$0x0], $0xffff  }
0x7f: {  	v10 =	vld.idx.msk [tilespmem:v1+s3+$0x0], $0xffff  }
0x80: {  	v5 =	vld.idx.msk [tilespmem:v2+s3+$0x0], $0xffff  }
0x81: {  	v3 =	vld.idx.msk [tilespmem:v3+s3+$0x0], $0xffff  }
0x82: {  	v0 =	vld.idx.msk [tilespmem:v4+s3+$0x0], $0xffff  }
0x83: {  	s4 =	simm.s32 $0xB70;
	v1 =	vld.idx.msk [tilespmem:v6+s3+$0x0], $0xffff  }
0x84: {  	v2 =	vld.idx.msk [tilespmem:v7+s3+$0x0], $0xffff;
	[tilespmem:s4+$0x0] =	vst v9  }
0x85: {  	s6 =	simm.s32 $0x3F0;
	s5 =	simm.s32 $0x30;
	v4 =	vld.idx.msk [tilespmem:v8+s3+$0x0], $0xffff;
	[tilespmem:s4+$0xFFFFFFA0] =	vst v10  }
.LBB2_7:
0x86: {  	v6 =	vld [tilespmem:s6+$0x0];
	s5 =	sadd.s32 $0x8, s5;
	[tilespmem:s4+$0xFFFFFFB0] =	vst v5  }
0x87: {  	v5 =	vld [tilespmem:s6+$0xFFFFFFA0];
	p0 =	slt.u32 s5, $0x38;
	[tilespmem:s4+$0xFFFFFFC0] =	vst v3  }
0x88: {  	v3 =	vld [tilespmem:s6+$0xFFFFFFB0];
	[tilespmem:s4+$0xFFFFFFD0] =	vst v0  }
0x89: {  	v0 =	vld [tilespmem:s6+$0xFFFFFFC0];
	[tilespmem:s4+$0xFFFFFFE0] =	vst v1  }
0x8a: {  	v1 =	vld [tilespmem:s6+$0xFFFFFFD0];
	[tilespmem:s4+$0xFFFFFFF0] =	vst v2  }
0x8b: {  	v2 =	vld [tilespmem:s6+$0xFFFFFFE0];
	[tilespmem:s4+$0xFFFFFF90] =	vst v4  }
0x8c: {  	v4 =	vld [tilespmem:s6+$0xFFFFFFF0]  }
0x8d: {  	v7 =	vld [tilespmem:s6+$0xFFFFFF90]  }
0x8e: {  	v6 =	vld.idx.msk [tilespmem:v6+s3+$0x0], $0xffff  }
0x8f: {  	v8 =	vld.idx.msk [tilespmem:v5+s3+$0x0], $0xffff  }
0x90: {  	v5 =	vld.idx.msk [tilespmem:v3+s3+$0x0], $0xffff  }
.Ltmp3:
0x91: {  	v3 =	vld.idx.msk [tilespmem:v0+s3+$0x0], $0xffff;
	(pc) =	sbr.rel @p0 .LBB2_7-.Ltmp3, $4  }
0x92: {  	v0 =	vld.idx.msk [tilespmem:v1+s3+$0x0], $0xffff  }
0x93: {  	s4 =	sadd.s32 $0x80, s4;
	v1 =	vld.idx.msk [tilespmem:v2+s3+$0x0], $0xffff  }
0x94: {  	v2 =	vld.idx.msk [tilespmem:v4+s3+$0x0], $0xffff;
	[tilespmem:s4+$0x0] =	vst v6  }
0x95: {  	s6 =	sadd.s32 $0x80, s6;
	v4 =	vld.idx.msk [tilespmem:v7+s3+$0x0], $0xffff;
	[tilespmem:s4+$0xFFFFFFA0] =	vst v8  }
0x96: {  	[tilespmem:s4+$0xFFFFFFB0] =	vst v5  }
0x97: {  	[tilespmem:s4+$0xFFFFFFC0] =	vst v3  }
0x98: {  	[tilespmem:s4+$0xFFFFFFD0] =	vst v0  }
0x99: {  	[tilespmem:s4+$0xFFFFFFE0] =	vst v1  }
0x9a: {  	s2 =	sadd.s32 $0x60, s2;
	[tilespmem:s4+$0xFFFFFFF0] =	vst v2  }
0x9b: {  	s3 =	simm.s32 $0x0;
	s30 =	simm.s32 $0xB00;
	s31 =	simm.s32 $0x1;
	[tilespmem:s4+$0xFFFFFF90] =	vst v4  }
0x9c: {  	[hbm4b:s2+s3] =	stream.linear.scatter [tilespmem:s30], [sflag:$0x1], $0x100, $0x38;
	[tilespmem:$0xC00] =	vst v63  }
0x9d: {  	_ =	swait.ge [sflag:s31], $0x100  }
0x9e: {  	[sflag:s31] =	ssyncset.done $0x0  }
0x9f: {  	[sflag:s31] =	ssyncadd.s32 $0xFFFFFF00  }
0xa0: {  	_ =	swait.ge [sflag:s31], $0x100  }
0xa1: {  	[sflag:s31] =	ssyncset.done $0x0  }
0xa2: {  	[sflag:s31] =	ssyncadd.s32 $0xFFFFFF00  }
0xa3: {  	_ =	swait.ge [sflag:s31], $0x100  }
0xa4: {  	[sflag:s31] =	ssyncset.done $0x0  }
0xa5: {  	[sflag:s31] =	ssyncadd.s32 $0xFFFFFF00  }
0xa6: {  	_ =	swait.ge [sflag:s31], $0x100  }
0xa7: {  	[sflag:s31] =	ssyncset.done $0x0  }
0xa8: {  	[sflag:s31] =	ssyncadd.s32 $0xFFFFFF00  }
0xa9: {  	_ =	sfence.sel $0x180000  }
0xaa: {  	[bflag:$0x0] =	sbarrier.arrive $0xFFFF  }
0xab: {  	p0 =	sne.s32 s1, $0x0;
	_ =	strace $0x90000047  }
0xac: {  	s0 =	sadd.s32 @!p0 $0x100000, s0;
	[bflag:$0x2] =	sbarrier.arrive $0xFFFF  }
0xad: {  	[sflag:s0] =	ssyncadd.tile.s32 @!p0 $0x1;
	_ =	shalt  }
.Lfunc_end2:
_tile_overlayer_lowered:
.L_overlay_start_2:
0xae: {  	(tag) =	ssettag $0x2  }
0xaf: {  	s0 =	rddreg [dreg:$0x0];
	s2 =	stileid.u32  }
0xb0: {  	s1 =	rddreg [dreg:$0x1];
	p0 =	sne.s32 s2, $0x0  }
0xb1: {  	s3 =	rddreg [dreg:$0x2];
	[bflag:$0x3] =	sbarrier.arrive $0xFFFF;
	s2 =	simm.s32 @!p0 $0x1C02  }
0xb2: {  	[timem:s3], [sflag:s2] =	dma.local @!p0 [hbm:s0], s1  }
0xb3: {  	s0 =	simm.s32 @!p0 $0x2  }
0xb4: {  	_ =	swait.ge @!p0 [sflag:s0], s1  }
0xb5: {  	s1 =	ssub.s32 @!p0 $0x0, s1;
	[sflag:s0] =	ssyncset.done @!p0 $0x0  }
0xb6: {  	[sflag:s0] =	ssyncadd.s32 @!p0 s1  }
0xb7: {  	[bflag:$0x3] =	sbarrier.arrive $0xFFFF  }
0xb8: {  	_ =	shalt  }

</sc_bundles>
